<compile_context>
chip_gen: v7x
topology: tpu7x:2x2x1
jax: 0.10.2.dev20260603
libtpu: 0.0.44.dev20260713+nightly
codegen_flags: <defaults>
</compile_context>

<pallas_src>
import functools

import jax
import jax.numpy as jnp
from jax import lax
from jax.experimental import pallas as pl
from jax.experimental.pallas import tpu as pltpu
from jax.experimental.pallas import tpu_sc as plsc

_T, _H, _W = 256, 128, 128
_HW = _H * _W
_FRAMES_PER_WORKER = 16
_NUM_WORKERS = _T // _FRAMES_PER_WORKER


def _argmax_body(hm_ref, idx_ref):
    x = hm_ref[:, 0]
    m = jnp.max(jnp.max(x, axis=1), axis=1)
    iy = lax.broadcasted_iota(jnp.int32, x.shape, 1)
    ix = lax.broadcasted_iota(jnp.int32, x.shape, 2)
    flat = iy * _W + ix
    hit = jnp.where(x == m[:, None, None], flat, jnp.int32(_HW))
    first = jnp.min(jnp.min(hit, axis=1), axis=1)
    idx_ref[0, 0, :] = first


def _decode_body(wh_hbm, idx_hbm, imgw_hbm, imgh_hbm, out_hbm,
                 idx_v, off0_v, off1_v, w_v, h_v, iw_v, ih_v, out_v, sem):
    nc = 1
    wid = lax.axis_index("s") * nc + lax.axis_index("c")

    @pl.when(wid < _NUM_WORKERS)
    def _():
        base = wid * _FRAMES_PER_WORKER
        cpi = pltpu.async_copy(idx_hbm.at[pl.ds(base, 16)], idx_v, sem)
        cpw = pltpu.async_copy(imgw_hbm.at[pl.ds(base, 16)], iw_v, sem)
        cph = pltpu.async_copy(imgh_hbm.at[pl.ds(base, 16)], ih_v, sem)
        cpi.wait()
        cpw.wait()
        cph.wait()
        idx = idx_v[...]
        frame = base + lax.iota(jnp.int32, 16)
        off0 = frame * (2 * _HW) + idx
        off0_v[...] = off0
        off1_v[...] = off0 + _HW
        cp0 = pltpu.async_copy(wh_hbm.at[off0_v], w_v, sem)
        cp1 = pltpu.async_copy(wh_hbm.at[off1_v], h_v, sem)
        cp0.wait()
        cp1.wait()
        w = w_v[...]
        h = h_v[...]
        xs = (idx % _W).astype(jnp.float32)
        ys = (idx >> 7).astype(jnp.float32)
        sw = iw_v[...] * (1.0 / _W)
        sh = ih_v[...] * (1.0 / _H)
        out_v[pl.ds(0, 16)] = (xs - 0.5 * w) * sw
        out_v[pl.ds(16, 16)] = (ys - 0.5 * h) * sh
        out_v[pl.ds(32, 16)] = (xs + 0.5 * w) * sw
        out_v[pl.ds(48, 16)] = (ys + 0.5 * h) * sh
        obase = pl.multiple_of((base >> 7) * 512 + (base & 127), 16)
        outs = [pltpu.async_copy(out_v.at[pl.ds(c * 16, 16)],
                                 out_hbm.at[pl.ds(obase + c * 128, 16)], sem)
                for c in range(4)]
        for cp in outs:
            cp.wait()


@functools.lru_cache(maxsize=None)
def _build_decode():
    return functools.partial(
        pl.kernel,
        mesh=plsc.VectorSubcoreMesh(core_axis_name="c", subcore_axis_name="s",
                                    num_cores=1),
        out_type=jax.ShapeDtypeStruct((_T * 4,), jnp.float32),
        scratch_types=[
            pltpu.VMEM((16,), jnp.int32),
            pltpu.VMEM((16,), jnp.int32),
            pltpu.VMEM((16,), jnp.int32),
            pltpu.VMEM((16,), jnp.float32),
            pltpu.VMEM((16,), jnp.float32),
            pltpu.VMEM((16,), jnp.float32),
            pltpu.VMEM((16,), jnp.float32),
            pltpu.VMEM((64,), jnp.float32),
            pltpu.SemaphoreType.DMA,
        ],
    )(_decode_body)


def kernel(spatial_map, spatial_wh, target_sizes):
    tb = 64
    idx3 = pl.pallas_call(
        _argmax_body,
        grid=(_T // tb,),
        in_specs=[pl.BlockSpec((tb, 1, _H, _W), lambda i: (i, 0, 0, 0))],
        out_specs=pl.BlockSpec((1, 1, tb), lambda i: (i, 0, 0)),
        out_shape=jax.ShapeDtypeStruct((_T // tb, 1, tb), jnp.int32),
    )(spatial_map)
    idx = idx3.reshape(_T)

    wh_flat = spatial_wh.reshape(_T * 2 * _HW)
    ts = target_sizes.astype(jnp.float32)
    img_h = ts[:, 0]
    img_w = ts[:, 1]
    boxes_flat = _build_decode()(wh_flat, idx, img_w, img_h)
    return boxes_flat.reshape(2, 4, 128).transpose(0, 2, 1).reshape(_T, 4)

# --- scband reference (transcript-rebuilt; emitter-appended) ---
"""Pipeline reference for scband-post-process-2061584302460 (READ-ONLY COPY).

The authoritative reference and input builder live on the scoring server;
editing this copy changes nothing except your own understanding.
"""

import jax, jax.numpy as jnp
import numpy as np

T, H, W = 256, 128, 128

def setup_inputs(seed: int = 0) -> dict:
    key = jax.random.key(seed)
    k1, k2, k3 = jax.random.split(key, 3)
    spatial_map = jax.random.normal(k1, (T, 1, H, W), dtype=jnp.float32)
    spatial_wh = jax.random.normal(k2, (T, 2, H, W), dtype=jnp.float32)
    target_sizes = jax.random.randint(k3, (T, 2), 0, 1024).astype(jnp.int64)
    return {"spatial_map": spatial_map, "spatial_wh": spatial_wh, "target_sizes": target_sizes}

def reference(spatial_map, spatial_wh, target_sizes):
    # hm_s = outputs['spatial_map'].squeeze(1); wh_s = outputs['spatial_wh']
    hm_s = jnp.squeeze(spatial_map, axis=1)
    time, height, width = hm_s.shape
    # topk_scores, topk_inds = torch.topk(hm_s.view(time, -1), 1)
    topk_scores, topk_inds = jax.lax.top_k(hm_s.reshape(time, -1), 1)
    topk_inds = topk_inds % (height * width)
    # topk_ys = (topk_inds / width).int().float(); topk_xs = (topk_inds % width).int().float()
    topk_ys = (topk_inds.astype(jnp.float32) / width).astype(jnp.int32).astype(jnp.float32)
    topk_xs = (topk_inds % width).astype(jnp.float32)
    # pre_wh = torch.gather(wh_s.view(T,2,-1), -1, topk_inds.unsqueeze(1).repeat(1,2,1))
    wh_flat = spatial_wh.reshape(spatial_wh.shape[0], spatial_wh.shape[1], -1)
    idx = jnp.broadcast_to(topk_inds[:, None, :], (time, 2, topk_inds.shape[1]))
    pre_wh = jnp.take_along_axis(wh_flat, idx, axis=-1)
    out_bbox = jnp.concatenate([
        topk_xs - pre_wh[:, 0, :] / 2,
        topk_ys - pre_wh[:, 1, :] / 2,
        topk_xs + pre_wh[:, 0, :] / 2,
        topk_ys + pre_wh[:, 1, :] / 2,
    ], axis=-1)
    # NOTE: original torch does out_bbox[:, 2].clamp(0, width) WITHOUT in-place, so it is a no-op; kept as no-op here.
    img_h = target_sizes[:, 0]
    img_w = target_sizes[:, 1]
    scale_fct_out = jnp.array([width, height, width, height], dtype=jnp.float32)[None, :]
    scale_fct = jnp.stack([img_w, img_h, img_w, img_h], axis=1).astype(jnp.float32)
    boxes = out_bbox / scale_fct_out * scale_fct
    # torch returns [{'boxes': b} for b in boxes]; we return the stacked boxes tensor [T, 4]
    return boxes

if __name__ == "__main__":
    import jax
    _d = setup_inputs()
    print(jax.jit(kernel)(*tuple(_d.values())))

</pallas_src>

<mosaic_0001>
#map = affine_map<(d0, d1) -> (0)>
module attributes {stable_mosaic.version = 14 : i64} {
  func.func @_decode_body(%arg0: i32, %arg1: i32, %arg2: memref<8388608xf32, #tpu.memory_space<hbm>>, %arg3: memref<256xi32, #tpu.memory_space<hbm>>, %arg4: memref<256xf32, #tpu.memory_space<hbm>>, %arg5: memref<256xf32, #tpu.memory_space<hbm>>, %arg6: memref<1024xf32, #tpu.memory_space<hbm>>, %arg7: memref<16xi32, #tpu.memory_space<vmem>>, %arg8: memref<16xi32, #tpu.memory_space<vmem>>, %arg9: memref<16xi32, #tpu.memory_space<vmem>>, %arg10: memref<16xf32, #tpu.memory_space<vmem>>, %arg11: memref<16xf32, #tpu.memory_space<vmem>>, %arg12: memref<16xf32, #tpu.memory_space<vmem>>, %arg13: memref<16xf32, #tpu.memory_space<vmem>>, %arg14: memref<64xf32, #tpu.memory_space<vmem>>, %arg15: memref<!tpu.dma_semaphore, #tpu.memory_space<semaphore_mem>>) attributes {dimension_semantics = [#tpu.dimension_semantics<core_parallel>, #tpu.dimension_semantics<subcore_parallel>], iteration_bounds = array<i64: 1, 16>, scalar_prefetch = 0 : i64, scratch_operands = 9 : i64, tpu.core_type = #tpu.core_type<sc_vector_subcore>, window_params = [{transform_indices = #map}, {transform_indices = #map}, {transform_indices = #map}, {transform_indices = #map}, {transform_indices = #map}]} {
    %mul3A = arith.constant 1 : i32
    %mul3A_0 = arith.muli %arg1, %mul3A : i32
    %add3A = arith.addi %mul3A_0, %arg0 : i32
    %lt3A = arith.constant 16 : i32
    %lt3A_1 = arith.cmpi slt, %add3A, %lt3A : i32
    %convert_element_type3A = arith.extui %lt3A_1 : i1 to i32
    %cond3A = arith.constant 0 : i32
    %cond3A_2 = arith.cmpi ne, %convert_element_type3A, %cond3A : i32
    scf.if %cond3A_2 {
      %mul3A_3 = arith.constant 16 : i32
      %mul3A_4 = arith.muli %add3A, %mul3A_3 : i32
      %dma_start3A = tpu.memref_slice %arg3[%mul3A_4] : memref<256xi32, #tpu.memory_space<hbm>> -> memref<16xi32, #tpu.memory_space<hbm>>
      %dma_start3A_5 = tpu.memref_slice %arg3[%mul3A_4] : memref<256xi32, #tpu.memory_space<hbm>> -> memref<16xi32, #tpu.memory_space<hbm>>
      tpu.enqueue_dma source(%dma_start3A_5 : memref<16xi32, #tpu.memory_space<hbm>>) target(%arg7 : memref<16xi32, #tpu.memory_space<vmem>>) target_semaphore(%arg15 : memref<!tpu.dma_semaphore, #tpu.memory_space<semaphore_mem>>)
      %dma_start3A_6 = tpu.memref_slice %arg4[%mul3A_4] : memref<256xf32, #tpu.memory_space<hbm>> -> memref<16xf32, #tpu.memory_space<hbm>>
      %dma_start3A_7 = tpu.memref_slice %arg4[%mul3A_4] : memref<256xf32, #tpu.memory_space<hbm>> -> memref<16xf32, #tpu.memory_space<hbm>>
      tpu.enqueue_dma source(%dma_start3A_7 : memref<16xf32, #tpu.memory_space<hbm>>) target(%arg12 : memref<16xf32, #tpu.memory_space<vmem>>) target_semaphore(%arg15 : memref<!tpu.dma_semaphore, #tpu.memory_space<semaphore_mem>>)
      %dma_start3A_8 = tpu.memref_slice %arg5[%mul3A_4] : memref<256xf32, #tpu.memory_space<hbm>> -> memref<16xf32, #tpu.memory_space<hbm>>
      %dma_start3A_9 = tpu.memref_slice %arg5[%mul3A_4] : memref<256xf32, #tpu.memory_space<hbm>> -> memref<16xf32, #tpu.memory_space<hbm>>
      tpu.enqueue_dma source(%dma_start3A_9 : memref<16xf32, #tpu.memory_space<hbm>>) target(%arg13 : memref<16xf32, #tpu.memory_space<vmem>>) target_semaphore(%arg15 : memref<!tpu.dma_semaphore, #tpu.memory_space<semaphore_mem>>)
      %dma_wait3A = tpu.memref_slice %arg3[%mul3A_4] : memref<256xi32, #tpu.memory_space<hbm>> -> memref<16xi32, #tpu.memory_space<hbm>>
      %dma_wait3A_10 = tpu.memref_slice %arg3[%mul3A_4] : memref<256xi32, #tpu.memory_space<hbm>> -> memref<16xi32, #tpu.memory_space<hbm>>
      tpu.wait_dma2 semaphore(%arg15 : memref<!tpu.dma_semaphore, #tpu.memory_space<semaphore_mem>>) src(%dma_wait3A_10 : memref<16xi32, #tpu.memory_space<hbm>>) dst(%arg7 : memref<16xi32, #tpu.memory_space<vmem>>)
      %dma_wait3A_11 = tpu.memref_slice %arg4[%mul3A_4] : memref<256xf32, #tpu.memory_space<hbm>> -> memref<16xf32, #tpu.memory_space<hbm>>
      %dma_wait3A_12 = tpu.memref_slice %arg4[%mul3A_4] : memref<256xf32, #tpu.memory_space<hbm>> -> memref<16xf32, #tpu.memory_space<hbm>>
      tpu.wait_dma2 semaphore(%arg15 : memref<!tpu.dma_semaphore, #tpu.memory_space<semaphore_mem>>) src(%dma_wait3A_12 : memref<16xf32, #tpu.memory_space<hbm>>) dst(%arg12 : memref<16xf32, #tpu.memory_space<vmem>>)
      %dma_wait3A_13 = tpu.memref_slice %arg5[%mul3A_4] : memref<256xf32, #tpu.memory_space<hbm>> -> memref<16xf32, #tpu.memory_space<hbm>>
      %dma_wait3A_14 = tpu.memref_slice %arg5[%mul3A_4] : memref<256xf32, #tpu.memory_space<hbm>> -> memref<16xf32, #tpu.memory_space<hbm>>
      tpu.wait_dma2 semaphore(%arg15 : memref<!tpu.dma_semaphore, #tpu.memory_space<semaphore_mem>>) src(%dma_wait3A_14 : memref<16xf32, #tpu.memory_space<hbm>>) dst(%arg13 : memref<16xf32, #tpu.memory_space<vmem>>)
      %get3A = arith.constant 0 : index
      %get3A_15 = tpu.vector_load %arg7[%get3A] {strides = array<i32>} : memref<16xi32, #tpu.memory_space<vmem>>, vector<16xi32>,
      %get3A_16 = vector.shape_cast %get3A_15 : vector<16xi32> to vector<16xi32>
      %iota3A = tpu.iota {dimensions = array<i32: 0>} : vector<16xi32>
      %add3A_17 = vector.broadcast %mul3A_4 : i32 to vector<16xi32>
      %add3A_18 = arith.addi %add3A_17, %iota3A : vector<16xi32>
      %mul3A_19 = arith.constant 32768 : i32
      %mul3A_20 = vector.broadcast %mul3A_19 : i32 to vector<16xi32>
      %mul3A_21 = arith.muli %add3A_18, %mul3A_20 : vector<16xi32>
      %add3A_22 = arith.addi %mul3A_21, %get3A_16 : vector<16xi32>
      %swap3A = arith.constant 0 : index
      %swap3A_23 = tpu.vector_load %arg8[%swap3A] {strides = array<i32>} : memref<16xi32, #tpu.memory_space<vmem>>, vector<16xi32>,
      %swap3A_24 = vector.shape_cast %swap3A_23 : vector<16xi32> to vector<16xi32>
      %swap3A_25 = vector.shape_cast %add3A_22 : vector<16xi32> to vector<16xi32>
      tpu.vector_store %arg8[%swap3A], %swap3A_25 {strides = array<i32>} : memref<16xi32, #tpu.memory_space<vmem>>, vector<16xi32>,
      %add3A_26 = arith.constant 16384 : i32
      %add3A_27 = vector.broadcast %add3A_26 : i32 to vector<16xi32>
      %add3A_28 = arith.addi %add3A_22, %add3A_27 : vector<16xi32>
      %swap3A_29 = arith.constant 0 : index
      %swap3A_30 = tpu.vector_load %arg9[%swap3A_29] {strides = array<i32>} : memref<16xi32, #tpu.memory_space<vmem>>, vector<16xi32>,
      %swap3A_31 = vector.shape_cast %swap3A_30 : vector<16xi32> to vector<16xi32>
      %swap3A_32 = vector.shape_cast %add3A_28 : vector<16xi32> to vector<16xi32>
      tpu.vector_store %arg9[%swap3A_29], %swap3A_32 {strides = array<i32>} : memref<16xi32, #tpu.memory_space<vmem>>, vector<16xi32>,
      %dma_start3A_33 = arith.constant 0 : i32
      %dma_start3A_34 = tpu.memref_slice %arg2[%dma_start3A_33] : memref<8388608xf32, #tpu.memory_space<hbm>> -> memref<8388608xf32, #tpu.memory_space<hbm>>
      tpu.enqueue_indirect_dma source(%dma_start3A_34 : memref<8388608xf32, #tpu.memory_space<hbm>>) target(%arg10 : memref<16xf32, #tpu.memory_space<vmem>>) offsets(%arg8 : memref<16xi32, #tpu.memory_space<vmem>>) semaphore(%arg15 : memref<!tpu.dma_semaphore, #tpu.memory_space<semaphore_mem>>)
      %dma_start3A_35 = arith.constant 0 : i32
      %dma_start3A_36 = tpu.memref_slice %arg2[%dma_start3A_35] : memref<8388608xf32, #tpu.memory_space<hbm>> -> memref<8388608xf32, #tpu.memory_space<hbm>>
      tpu.enqueue_indirect_dma source(%dma_start3A_36 : memref<8388608xf32, #tpu.memory_space<hbm>>) target(%arg11 : memref<16xf32, #tpu.memory_space<vmem>>) offsets(%arg9 : memref<16xi32, #tpu.memory_space<vmem>>) semaphore(%arg15 : memref<!tpu.dma_semaphore, #tpu.memory_space<semaphore_mem>>)
      %dma_wait3A_37 = arith.constant 0 : i32
      %dma_wait3A_38 = tpu.memref_slice %arg2[%dma_wait3A_37] : memref<8388608xf32, #tpu.memory_space<hbm>> -> memref<8388608xf32, #tpu.memory_space<hbm>>
      tpu.wait_indirect_dma semaphore(%arg15 : memref<!tpu.dma_semaphore, #tpu.memory_space<semaphore_mem>>) src(%dma_wait3A_38 : memref<8388608xf32, #tpu.memory_space<hbm>>) dst(%arg10 : memref<16xf32, #tpu.memory_space<vmem>>)
      %dma_wait3A_39 = arith.constant 0 : i32
      %dma_wait3A_40 = tpu.memref_slice %arg2[%dma_wait3A_39] : memref<8388608xf32, #tpu.memory_space<hbm>> -> memref<8388608xf32, #tpu.memory_space<hbm>>
      tpu.wait_indirect_dma semaphore(%arg15 : memref<!tpu.dma_semaphore, #tpu.memory_space<semaphore_mem>>) src(%dma_wait3A_40 : memref<8388608xf32, #tpu.memory_space<hbm>>) dst(%arg11 : memref<16xf32, #tpu.memory_space<vmem>>)
      %get3A_41 = arith.constant 0 : index
      %get3A_42 = tpu.vector_load %arg10[%get3A_41] {strides = array<i32>} : memref<16xf32, #tpu.memory_space<vmem>>, vector<16xf32>,
      %get3A_43 = vector.shape_cast %get3A_42 : vector<16xf32> to vector<16xf32>
      %get3A_44 = arith.constant 0 : index
      %get3A_45 = tpu.vector_load %arg11[%get3A_44] {strides = array<i32>} : memref<16xf32, #tpu.memory_space<vmem>>, vector<16xf32>,
      %get3A_46 = vector.shape_cast %get3A_45 : vector<16xf32> to vector<16xf32>
      %jit3A = arith.constant 128 : i32
      %eq3A = arith.constant 0 : i32
      %eq3A_47 = arith.cmpi eq, %jit3A, %eq3A : i32
      %jit3A_48 = arith.constant 1 : i32
      %select_n3A = arith.select %eq3A_47, %jit3A_48, %jit3A : i32
      %rem3A = vector.broadcast %select_n3A : i32 to vector<16xi32>
      %rem3A_49 = arith.remsi %get3A_16, %rem3A : vector<16xi32>
      %ne3A = arith.constant 0 : i32
      %ne3A_50 = vector.broadcast %ne3A : i32 to vector<16xi32>
      %ne3A_51 = arith.cmpi ne, %rem3A_49, %ne3A_50 : vector<16xi32>
      %lt3A_52 = arith.constant 0 : i32
      %lt3A_53 = vector.broadcast %lt3A_52 : i32 to vector<16xi32>
      %lt3A_54 = arith.cmpi slt, %rem3A_49, %lt3A_53 : vector<16xi32>
      %lt3A_55 = arith.constant 0 : i32
      %lt3A_56 = arith.cmpi slt, %select_n3A, %lt3A_55 : i32
      %ne3A_57 = vector.broadcast %lt3A_56 : i1 to vector<16xi1>
      %ne3A_58 = vector.broadcast %ne3A_57 : vector<16xi1> to vector<16xi1>
      %ne3A_59 = arith.xori %lt3A_54, %ne3A_58 : vector<16xi1>
      %and3A = arith.andi %ne3A_59, %ne3A_51 : vector<16xi1>
      %add3A_60 = vector.broadcast %select_n3A : i32 to vector<16xi32>
      %add3A_61 = arith.addi %rem3A_49, %add3A_60 : vector<16xi32>
      %select_n3A_62 = arith.select %and3A, %add3A_61, %rem3A_49 : vector<16xi1>, vector<16xi32>
      %convert_element_type3A_63 = arith.sitofp %select_n3A_62 : vector<16xi32> to vector<16xf32>
      %shift_right_arithmetic3A = arith.constant 7 : i32
      %shift_right_arithmetic3A_64 = vector.broadcast %shift_right_arithmetic3A : i32 to vector<16xi32>
      %shift_right_arithmetic3A_65 = arith.shrsi %get3A_16, %shift_right_arithmetic3A_64 : vector<16xi32>
      %convert_element_type3A_66 = arith.sitofp %shift_right_arithmetic3A_65 : vector<16xi32> to vector<16xf32>
      %get3A_67 = arith.constant 0 : index
      %get3A_68 = tpu.vector_load %arg12[%get3A_67] {strides = array<i32>} : memref<16xf32, #tpu.memory_space<vmem>>, vector<16xf32>,
      %get3A_69 = vector.shape_cast %get3A_68 : vector<16xf32> to vector<16xf32>
      %mul3A_70 = arith.constant 7.812500e-03 : f32
      %mul3A_71 = vector.broadcast %mul3A_70 : f32 to vector<16xf32>
      %mul3A_72 = arith.mulf %get3A_69, %mul3A_71 : vector<16xf32>
      %get3A_73 = arith.constant 0 : index
      %get3A_74 = tpu.vector_load %arg13[%get3A_73] {strides = array<i32>} : memref<16xf32, #tpu.memory_space<vmem>>, vector<16xf32>,
      %get3A_75 = vector.shape_cast %get3A_74 : vector<16xf32> to vector<16xf32>
      %mul3A_76 = arith.constant 7.812500e-03 : f32
      %mul3A_77 = vector.broadcast %mul3A_76 : f32 to vector<16xf32>
      %mul3A_78 = arith.mulf %get3A_75, %mul3A_77 : vector<16xf32>
      %mul3A_79 = arith.constant 5.000000e-01 : f32
      %mul3A_80 = vector.broadcast %mul3A_79 : f32 to vector<16xf32>
      %mul3A_81 = arith.mulf %mul3A_80, %get3A_43 : vector<16xf32>
      %sub3A = arith.subf %convert_element_type3A_63, %mul3A_81 : vector<16xf32>
      %mul3A_82 = arith.mulf %sub3A, %mul3A_72 : vector<16xf32>
      %swap3A_83 = arith.constant 0 : index
      %swap3A_84 = tpu.vector_load %arg14[%swap3A_83] {strides = array<i32>} : memref<64xf32, #tpu.memory_space<vmem>>, vector<16xf32>,
      %swap3A_85 = vector.shape_cast %swap3A_84 : vector<16xf32> to vector<16xf32>
      %swap3A_86 = vector.shape_cast %mul3A_82 : vector<16xf32> to vector<16xf32>
      tpu.vector_store %arg14[%swap3A_83], %swap3A_86 {strides = array<i32>} : memref<64xf32, #tpu.memory_space<vmem>>, vector<16xf32>,
      %mul3A_87 = arith.constant 5.000000e-01 : f32
      %mul3A_88 = vector.broadcast %mul3A_87 : f32 to vector<16xf32>
      %mul3A_89 = arith.mulf %mul3A_88, %get3A_46 : vector<16xf32>
      %sub3A_90 = arith.subf %convert_element_type3A_66, %mul3A_89 : vector<16xf32>
      %mul3A_91 = arith.mulf %sub3A_90, %mul3A_78 : vector<16xf32>
      %swap3A_92 = arith.constant 16 : index
      %swap3A_93 = tpu.vector_load %arg14[%swap3A_92] {strides = array<i32>} : memref<64xf32, #tpu.memory_space<vmem>>, vector<16xf32>,
      %swap3A_94 = vector.shape_cast %swap3A_93 : vector<16xf32> to vector<16xf32>
      %swap3A_95 = vector.shape_cast %mul3A_91 : vector<16xf32> to vector<16xf32>
      tpu.vector_store %arg14[%swap3A_92], %swap3A_95 {strides = array<i32>} : memref<64xf32, #tpu.memory_space<vmem>>, vector<16xf32>,
      %mul3A_96 = arith.constant 5.000000e-01 : f32
      %mul3A_97 = vector.broadcast %mul3A_96 : f32 to vector<16xf32>
      %mul3A_98 = arith.mulf %mul3A_97, %get3A_43 : vector<16xf32>
      %add3A_99 = arith.addf %convert_element_type3A_63, %mul3A_98 : vector<16xf32>
      %mul3A_100 = arith.mulf %add3A_99, %mul3A_72 : vector<16xf32>
      %swap3A_101 = arith.constant 32 : index
      %swap3A_102 = tpu.vector_load %arg14[%swap3A_101] {strides = array<i32>} : memref<64xf32, #tpu.memory_space<vmem>>, vector<16xf32>,
      %swap3A_103 = vector.shape_cast %swap3A_102 : vector<16xf32> to vector<16xf32>
      %swap3A_104 = vector.shape_cast %mul3A_100 : vector<16xf32> to vector<16xf32>
      tpu.vector_store %arg14[%swap3A_101], %swap3A_104 {strides = array<i32>} : memref<64xf32, #tpu.memory_space<vmem>>, vector<16xf32>,
      %mul3A_105 = arith.constant 5.000000e-01 : f32
      %mul3A_106 = vector.broadcast %mul3A_105 : f32 to vector<16xf32>
      %mul3A_107 = arith.mulf %mul3A_106, %get3A_46 : vector<16xf32>
      %add3A_108 = arith.addf %convert_element_type3A_66, %mul3A_107 : vector<16xf32>
      %mul3A_109 = arith.mulf %add3A_108, %mul3A_78 : vector<16xf32>
      %swap3A_110 = arith.constant 48 : index
      %swap3A_111 = tpu.vector_load %arg14[%swap3A_110] {strides = array<i32>} : memref<64xf32, #tpu.memory_space<vmem>>, vector<16xf32>,
      %swap3A_112 = vector.shape_cast %swap3A_111 : vector<16xf32> to vector<16xf32>
      %swap3A_113 = vector.shape_cast %mul3A_109 : vector<16xf32> to vector<16xf32>
      tpu.vector_store %arg14[%swap3A_110], %swap3A_113 {strides = array<i32>} : memref<64xf32, #tpu.memory_space<vmem>>, vector<16xf32>,
      %shift_right_arithmetic3A_114 = arith.constant 7 : i32
      %shift_right_arithmetic3A_115 = arith.shrsi %mul3A_4, %shift_right_arithmetic3A_114 : i32
      %mul3A_116 = arith.constant 512 : i32
      %mul3A_117 = arith.muli %shift_right_arithmetic3A_115, %mul3A_116 : i32
      %and3A_118 = arith.constant 127 : i32
      %and3A_119 = arith.andi %mul3A_4, %and3A_118 : i32
      %add3A_120 = arith.addi %mul3A_117, %and3A_119 : i32
      %multiple_of3A = tpu.assume_multiple %add3A_120, 16 : i32
      %add3A_121 = arith.constant 0 : i32
      %add3A_122 = arith.addi %multiple_of3A, %add3A_121 : i32
      %dma_start3A_123 = arith.constant 0 : i32
      %dma_start3A_124 = tpu.memref_slice %arg14[%dma_start3A_123] : memref<64xf32, #tpu.memory_space<vmem>> -> memref<16xf32, #tpu.memory_space<vmem>>
      %dma_start3A_125 = tpu.memref_slice %arg6[%add3A_122] : memref<1024xf32, #tpu.memory_space<hbm>> -> memref<16xf32, #tpu.memory_space<hbm>>
      %dma_start3A_126 = tpu.memref_slice %arg6[%add3A_122] : memref<1024xf32, #tpu.memory_space<hbm>> -> memref<16xf32, #tpu.memory_space<hbm>>
      %dma_start3A_127 = arith.constant 0 : i32
      %dma_start3A_128 = tpu.memref_slice %arg14[%dma_start3A_127] : memref<64xf32, #tpu.memory_space<vmem>> -> memref<16xf32, #tpu.memory_space<vmem>>
      tpu.enqueue_dma source(%dma_start3A_128 : memref<16xf32, #tpu.memory_space<vmem>>) target(%dma_start3A_126 : memref<16xf32, #tpu.memory_space<hbm>>) target_semaphore(%arg15 : memref<!tpu.dma_semaphore, #tpu.memory_space<semaphore_mem>>)
      %add3A_129 = arith.constant 128 : i32
      %add3A_130 = arith.addi %multiple_of3A, %add3A_129 : i32
      %dma_start3A_131 = arith.constant 16 : i32
      %dma_start3A_132 = tpu.memref_slice %arg14[%dma_start3A_131] : memref<64xf32, #tpu.memory_space<vmem>> -> memref<16xf32, #tpu.memory_space<vmem>>
      %dma_start3A_133 = tpu.memref_slice %arg6[%add3A_130] : memref<1024xf32, #tpu.memory_space<hbm>> -> memref<16xf32, #tpu.memory_space<hbm>>
      %dma_start3A_134 = tpu.memref_slice %arg6[%add3A_130] : memref<1024xf32, #tpu.memory_space<hbm>> -> memref<16xf32, #tpu.memory_space<hbm>>
      %dma_start3A_135 = arith.constant 16 : i32
      %dma_start3A_136 = tpu.memref_slice %arg14[%dma_start3A_135] : memref<64xf32, #tpu.memory_space<vmem>> -> memref<16xf32, #tpu.memory_space<vmem>>
      tpu.enqueue_dma source(%dma_start3A_136 : memref<16xf32, #tpu.memory_space<vmem>>) target(%dma_start3A_134 : memref<16xf32, #tpu.memory_space<hbm>>) target_semaphore(%arg15 : memref<!tpu.dma_semaphore, #tpu.memory_space<semaphore_mem>>)
      %add3A_137 = arith.constant 256 : i32
      %add3A_138 = arith.addi %multiple_of3A, %add3A_137 : i32
      %dma_start3A_139 = arith.constant 32 : i32
      %dma_start3A_140 = tpu.memref_slice %arg14[%dma_start3A_139] : memref<64xf32, #tpu.memory_space<vmem>> -> memref<16xf32, #tpu.memory_space<vmem>>
      %dma_start3A_141 = tpu.memref_slice %arg6[%add3A_138] : memref<1024xf32, #tpu.memory_space<hbm>> -> memref<16xf32, #tpu.memory_space<hbm>>
      %dma_start3A_142 = tpu.memref_slice %arg6[%add3A_138] : memref<1024xf32, #tpu.memory_space<hbm>> -> memref<16xf32, #tpu.memory_space<hbm>>
      %dma_start3A_143 = arith.constant 32 : i32
      %dma_start3A_144 = tpu.memref_slice %arg14[%dma_start3A_143] : memref<64xf32, #tpu.memory_space<vmem>> -> memref<16xf32, #tpu.memory_space<vmem>>
      tpu.enqueue_dma source(%dma_start3A_144 : memref<16xf32, #tpu.memory_space<vmem>>) target(%dma_start3A_142 : memref<16xf32, #tpu.memory_space<hbm>>) target_semaphore(%arg15 : memref<!tpu.dma_semaphore, #tpu.memory_space<semaphore_mem>>)
      %add3A_145 = arith.constant 384 : i32
      %add3A_146 = arith.addi %multiple_of3A, %add3A_145 : i32
      %dma_start3A_147 = arith.constant 48 : i32
      %dma_start3A_148 = tpu.memref_slice %arg14[%dma_start3A_147] : memref<64xf32, #tpu.memory_space<vmem>> -> memref<16xf32, #tpu.memory_space<vmem>>
      %dma_start3A_149 = tpu.memref_slice %arg6[%add3A_146] : memref<1024xf32, #tpu.memory_space<hbm>> -> memref<16xf32, #tpu.memory_space<hbm>>
      %dma_start3A_150 = tpu.memref_slice %arg6[%add3A_146] : memref<1024xf32, #tpu.memory_space<hbm>> -> memref<16xf32, #tpu.memory_space<hbm>>
      %dma_start3A_151 = arith.constant 48 : i32
      %dma_start3A_152 = tpu.memref_slice %arg14[%dma_start3A_151] : memref<64xf32, #tpu.memory_space<vmem>> -> memref<16xf32, #tpu.memory_space<vmem>>
      tpu.enqueue_dma source(%dma_start3A_152 : memref<16xf32, #tpu.memory_space<vmem>>) target(%dma_start3A_150 : memref<16xf32, #tpu.memory_space<hbm>>) target_semaphore(%arg15 : memref<!tpu.dma_semaphore, #tpu.memory_space<semaphore_mem>>)
      %dma_wait3A_153 = arith.constant 0 : i32
      %dma_wait3A_154 = tpu.memref_slice %arg14[%dma_wait3A_153] : memref<64xf32, #tpu.memory_space<vmem>> -> memref<16xf32, #tpu.memory_space<vmem>>
      %dma_wait3A_155 = tpu.memref_slice %arg6[%add3A_122] : memref<1024xf32, #tpu.memory_space<hbm>> -> memref<16xf32, #tpu.memory_space<hbm>>
      %dma_wait3A_156 = tpu.memref_slice %arg6[%add3A_122] : memref<1024xf32, #tpu.memory_space<hbm>> -> memref<16xf32, #tpu.memory_space<hbm>>
      %dma_wait3A_157 = arith.constant 0 : i32
      %dma_wait3A_158 = tpu.memref_slice %arg14[%dma_wait3A_157] : memref<64xf32, #tpu.memory_space<vmem>> -> memref<16xf32, #tpu.memory_space<vmem>>
      tpu.wait_dma2 semaphore(%arg15 : memref<!tpu.dma_semaphore, #tpu.memory_space<semaphore_mem>>) src(%dma_wait3A_158 : memref<16xf32, #tpu.memory_space<vmem>>) dst(%dma_wait3A_156 : memref<16xf32, #tpu.memory_space<hbm>>)
      %dma_wait3A_159 = arith.constant 16 : i32
      %dma_wait3A_160 = tpu.memref_slice %arg14[%dma_wait3A_159] : memref<64xf32, #tpu.memory_space<vmem>> -> memref<16xf32, #tpu.memory_space<vmem>>
      %dma_wait3A_161 = tpu.memref_slice %arg6[%add3A_130] : memref<1024xf32, #tpu.memory_space<hbm>> -> memref<16xf32, #tpu.memory_space<hbm>>
      %dma_wait3A_162 = tpu.memref_slice %arg6[%add3A_130] : memref<1024xf32, #tpu.memory_space<hbm>> -> memref<16xf32, #tpu.memory_space<hbm>>
      %dma_wait3A_163 = arith.constant 16 : i32
      %dma_wait3A_164 = tpu.memref_slice %arg14[%dma_wait3A_163] : memref<64xf32, #tpu.memory_space<vmem>> -> memref<16xf32, #tpu.memory_space<vmem>>
      tpu.wait_dma2 semaphore(%arg15 : memref<!tpu.dma_semaphore, #tpu.memory_space<semaphore_mem>>) src(%dma_wait3A_164 : memref<16xf32, #tpu.memory_space<vmem>>) dst(%dma_wait3A_162 : memref<16xf32, #tpu.memory_space<hbm>>)
      %dma_wait3A_165 = arith.constant 32 : i32
      %dma_wait3A_166 = tpu.memref_slice %arg14[%dma_wait3A_165] : memref<64xf32, #tpu.memory_space<vmem>> -> memref<16xf32, #tpu.memory_space<vmem>>
      %dma_wait3A_167 = tpu.memref_slice %arg6[%add3A_138] : memref<1024xf32, #tpu.memory_space<hbm>> -> memref<16xf32, #tpu.memory_space<hbm>>
      %dma_wait3A_168 = tpu.memref_slice %arg6[%add3A_138] : memref<1024xf32, #tpu.memory_space<hbm>> -> memref<16xf32, #tpu.memory_space<hbm>>
      %dma_wait3A_169 = arith.constant 32 : i32
      %dma_wait3A_170 = tpu.memref_slice %arg14[%dma_wait3A_169] : memref<64xf32, #tpu.memory_space<vmem>> -> memref<16xf32, #tpu.memory_space<vmem>>
      tpu.wait_dma2 semaphore(%arg15 : memref<!tpu.dma_semaphore, #tpu.memory_space<semaphore_mem>>) src(%dma_wait3A_170 : memref<16xf32, #tpu.memory_space<vmem>>) dst(%dma_wait3A_168 : memref<16xf32, #tpu.memory_space<hbm>>)
      %dma_wait3A_171 = arith.constant 48 : i32
      %dma_wait3A_172 = tpu.memref_slice %arg14[%dma_wait3A_171] : memref<64xf32, #tpu.memory_space<vmem>> -> memref<16xf32, #tpu.memory_space<vmem>>
      %dma_wait3A_173 = tpu.memref_slice %arg6[%add3A_146] : memref<1024xf32, #tpu.memory_space<hbm>> -> memref<16xf32, #tpu.memory_space<hbm>>
      %dma_wait3A_174 = tpu.memref_slice %arg6[%add3A_146] : memref<1024xf32, #tpu.memory_space<hbm>> -> memref<16xf32, #tpu.memory_space<hbm>>
      %dma_wait3A_175 = arith.constant 48 : i32
      %dma_wait3A_176 = tpu.memref_slice %arg14[%dma_wait3A_175] : memref<64xf32, #tpu.memory_space<vmem>> -> memref<16xf32, #tpu.memory_space<vmem>>
      tpu.wait_dma2 semaphore(%arg15 : memref<!tpu.dma_semaphore, #tpu.memory_space<semaphore_mem>>) src(%dma_wait3A_176 : memref<16xf32, #tpu.memory_space<vmem>>) dst(%dma_wait3A_174 : memref<16xf32, #tpu.memory_space<hbm>>)
    } else {
    }
    return
  }
}

module attributes {stable_mosaic.version = 14 : i64} {
  func.func @_argmax_body(%arg0: i32, %arg1: memref<64x1x128x128xf32, #tpu.memory_space<vmem>>, %arg2: memref<1x1x64xi32, #tpu.memory_space<vmem>>) attributes {dimension_semantics = [#tpu.dimension_semantics<arbitrary>], iteration_bounds = array<i64: 4>, scalar_prefetch = 0 : i64, scratch_operands = 0 : i64, tpu.core_type = #tpu.core_type<tc>, window_params = [{transform_indices = @transform_0, window_bounds = array<i64: 64, 1, 128, 128>}, {transform_indices = @transform_1, window_bounds = array<i64: 1, 1, 64>}]} {
    %get3A = arith.constant 0 : index
    %get3A_0 = arith.constant 0 : index
    %get3A_1 = arith.constant 0 : index
    %get3A_2 = arith.constant 0 : index
    %get3A_3 = vector.load %arg1[%get3A, %get3A_0, %get3A_1, %get3A_2] : memref<64x1x128x128xf32, #tpu.memory_space<vmem>>, vector<64x1x128x128xf32>
    %get3A_4 = vector.shape_cast %get3A_3 : vector<64x1x128x128xf32> to vector<64x128x128xf32>
    %reduce_max3A = arith.constant dense<0xFF800000> : vector<64x128xf32>
    %reduce_max3A_5 = vector.multi_reduction <maximumf>, %get3A_4, %reduce_max3A [1] : vector<64x128x128xf32> to vector<64x128xf32>
    %reduce_max3A_6 = arith.constant dense<0xFF800000> : vector<64xf32>
    %reduce_max3A_7 = vector.multi_reduction <maximumf>, %reduce_max3A_5, %reduce_max3A_6 [1] : vector<64x128xf32> to vector<64xf32>
    %iota3A = tpu.iota {dimensions = array<i32: 1>} : vector<64x128x128xi32>
    %iota3A_8 = tpu.iota {dimensions = array<i32: 2>} : vector<64x128x128xi32>
    %mul3A = arith.constant 128 : i32
    %mul3A_9 = vector.broadcast %mul3A : i32 to vector<64x128x128xi32>
    %mul3A_10 = arith.muli %iota3A, %mul3A_9 : vector<64x128x128xi32>
    %add3A = arith.addi %mul3A_10, %iota3A_8 : vector<64x128x128xi32>
    %broadcast_in_dim3A = vector.shape_cast %reduce_max3A_7 : vector<64xf32> to vector<64x1x1xf32>
    %eq3A = vector.broadcast %broadcast_in_dim3A : vector<64x1x1xf32> to vector<64x128x128xf32>
    %eq3A_11 = arith.cmpf oeq, %get3A_4, %eq3A : vector<64x128x128xf32>
    %jit3A = arith.constant 16384 : i32
    %broadcast_in_dim3A_12 = vector.broadcast %jit3A : i32 to vector<64x128x128xi32>
    %select_n3A = arith.select %eq3A_11, %add3A, %broadcast_in_dim3A_12 : vector<64x128x128xi1>, vector<64x128x128xi32>
    %reduce_min3A = arith.constant dense<2147483647> : vector<64x128xi32>
    %reduce_min3A_13 = vector.multi_reduction <minsi>, %select_n3A, %reduce_min3A [1] : vector<64x128x128xi32> to vector<64x128xi32>
    %reduce_min3A_14 = arith.constant dense<2147483647> : vector<64xi32>
    %reduce_min3A_15 = vector.multi_reduction <minsi>, %reduce_min3A_13, %reduce_min3A_14 [1] : vector<64x128xi32> to vector<64xi32>
    %swap3A = arith.constant 0 : index
    %swap3A_16 = arith.constant 0 : index
    %swap3A_17 = arith.constant 0 : index
    %swap3A_18 = vector.load %arg2[%swap3A, %swap3A_16, %swap3A_17] : memref<1x1x64xi32, #tpu.memory_space<vmem>>, vector<1x1x64xi32>
    %swap3A_19 = vector.shape_cast %swap3A_18 : vector<1x1x64xi32> to vector<64xi32>
    %swap3A_20 = vector.shape_cast %reduce_min3A_15 : vector<64xi32> to vector<1x1x64xi32>
    tpu.vector_store %arg2[%swap3A, %swap3A_16, %swap3A_17], %swap3A_20 {strides = array<i32>} : memref<1x1x64xi32, #tpu.memory_space<vmem>>, vector<1x1x64xi32>,
    return
  }
  func.func @transform_0(%arg0: i32) -> (i32, i32, i32, i32) {
    %c0_i32 = arith.constant 0 : i32
    %c0_i32_0 = arith.constant 0 : i32
    %c0_i32_1 = arith.constant 0 : i32
    %c0_i32_2 = arith.constant 0 : i32
    return %arg0, %c0_i32, %c0_i32_0, %c0_i32_1 : i32, i32, i32, i32
  }
  func.func @transform_1(%arg0: i32) -> (i32, i32, i32) {
    %c0_i32 = arith.constant 0 : i32
    %c0_i32_0 = arith.constant 0 : i32
    %c0_i32_1 = arith.constant 0 : i32
    return %arg0, %c0_i32, %c0_i32_0 : i32, i32, i32
  }
}

</mosaic_0001>

<sc_bundles>
// kernel: kernel.4.cloned.1.call-start
scs
__scs_entry_jumppad:
0x0: {  	(pc) =	sbr.rel $0x88, $3  }
0x1: {  	(tag) =	ssettag $0x0;
	lr =	simm.s32 $0x1  }
0x2: {  	[smem:$0x3F9E] =	sst lr;
	_ =	strace $0xD0000000  }
0x3: {  	_ = 	snop  }
0x4: {  	_ = 	snop  }
0x5: {  	_ = 	snop  }
0x6: {  	_ = 	snop  }
0x7: {  	_ = 	snop  }
__scs_overlays_trampoline_lowered:
0x8: {  	[smem:$0x3FAD] =	sst s0  }
0x9: {  	[smem:$0x3FAE] =	sst s1  }
0xa: {  	[smem:$0x3FAF] =	sst s2  }
0xb: {  	[smem:$0x3FB0] =	sst s3  }
0xc: {  	[smem:$0x3FB1] =	sst s4  }
0xd: {  	[smem:$0x3FB2] =	sst s5  }
0xe: {  	[smem:$0x3FB3] =	sst s6  }
0xf: {  	[smem:$0x3FB4] =	sst s7  }
0x10: {  	[smem:$0x3FB5] =	sst s8  }
0x11: {  	[smem:$0x3FB6] =	sst s9;
	s0 =	simm.s32 @!p0 $0x0  }
0x12: {  	s1 =	sld [smem:$0x3F9C];
	s0 =	simm.s32 @p0 $0x1  }
0x13: {  	[smem:$0x3FB7] =	sst s0;
	s0 =	simm.s32 @!p1 $0x0  }
0x14: {  	s2 =	sld [smem:$0x3F9B];
	s0 =	simm.s32 @p1 $0x1  }
0x15: {  	[smem:$0x3FB8] =	sst s0;
	s0 =	simm.s32 @!p2 $0x0  }
0x16: {  	s3 =	sld [smem:$0x3FDB];
	s0 =	simm.s32 @p2 $0x1  }
0x17: {  	s4 =	simm.s32 $0x1BF5;
	[smem:$0x3FBA] =	sst s0  }
0x18: {  	s0 =	sld [smem:$0x3F9D];
	_ =	swait.ge [sflag:s4], $0x0  }
0x19: {  	s7 =	sld [smem:$0x3F9E]  }
0x1a: {  	s8 =	sadd.s32 $0xFFFFE003, lr  }
0x1b: {  	s9 =	sadd.s32 $0xFFFFFEF7, lr;
	s5 =	simm.s32 $0xFFFFFFFF;
	p2 =	slt.u32 s8, $0xFFFFF086  }
0x1c: {  	p1 =	slt.u32 s9, $0xF7A;
	s5 =	simm.s32 @!p2 $0x0  }
0x1d: {  	s5 =	simm.s32 @p1 $0x1;
	p0 =	seq.s32 s7, s2  }
0x1e: {  	s7 =	smul.u32 @!p0 $0xF7A, s2;
	p2 =	seq.s32 @!p0 s5, $0x0  }
0x1f: {  	s9 =	smul.u32 $0xF7A, s1;
	s8 =	simm.s32 @!p0 $0x1BF5;
	p2 =	por !p2, p0  }
0x20: {  	[sflag:s8] =	ssyncset.s32 @!p0 $0xFFFFF086;
	s6 =	sadd.s32 @!p0 s3, s7;
	s7 =	simm.s32 @!p0 $0x108  }
0x21: {  	s3 =	sadd.s32 s3, s9;
	s6 =	sadd.s32 @!p0 $0x88, s6;
	s7 =	simm.s32 @p2 $0x1082  }
0x22: {  	[simem:s7], [sflag:s8] =	dma.local @!p0 [hbm:s6], $0xF7A  }
0x23: {  	s9 =	sor.u32 $0xD0000000, s2;
	s6 =	simm.s32 $0x108;
	_ =	swait.ge @!p0 [sflag:s8], $0x0  }
0x24: {  	s3 =	sadd.s32 $0x88, s3;
	s6 =	simm.s32 @!p1 $0x1082;
	[sflag:s4] =	ssyncset.s32 $0xFFFFF086  }
0x25: {  	[simem:s6], [sflag:s4] =	dma.local [hbm:s3], $0xF7A  }
0x26: {  	[smem:$0x3F9E] =	sst s1;
	(tag) =	ssettag s2;
	_ =	strace s9  }
0x27: {  	s1 =	sld [smem:$0x3FAE]  }
0x28: {  	s2 =	sld [smem:$0x3FAF]  }
0x29: {  	s4 =	sld [smem:$0x3FB1]  }
0x2a: {  	p0 =	seq.s32 s5, $0x0;
	s5 =	sld [smem:$0x3FB2]  }
0x2b: {  	s6 =	sld [smem:$0x3FB3]  }
0x2c: {  	s7 =	sld [smem:$0x3FB4]  }
0x2d: {  	s3 =	simm.s32 $0x108;
	s8 =	sld [smem:$0x3FB5]  }
0x2e: {  	s3 =	simm.s32 @!p0 $0x1082;
	s9 =	sld [smem:$0x3FB6]  }
0x2f: {  	lr =	sadd.s32 s0, s3;
	s0 =	sld [smem:$0x3FAD]  }
0x30: {  	s3 =	sld [smem:$0x3FB0]  }
0x31: {  	[smem:$0x3FB9] =	sst s10  }
0x32: {  	s10 =	sld [smem:$0x3FB7];
	_ =	sdelay $0x3  }
0x33: {  	p0 =	seq.s32 s10, $0x1;
	s10 =	sld [smem:$0x3FB9];
	_ =	sdelay $0x3  }
0x34: {  	[smem:$0x3FB9] =	sst s10  }
0x35: {  	s10 =	sld [smem:$0x3FB8];
	_ =	sdelay $0x3  }
0x36: {  	p1 =	seq.s32 s10, $0x1;
	s10 =	sld [smem:$0x3FB9];
	_ =	sdelay $0x3  }
0x37: {  	[smem:$0x3FB9] =	sst s10  }
0x38: {  	s10 =	sld [smem:$0x3FBA]  }
0x39: {  	_ = 	snop;
	(pc) =	sbr.ind lr, $3  }
0x3a: {  	_ = 	snop  }
0x3b: {  	_ = 	snop  }
0x3c: {  	p2 =	seq.s32 s10, $0x1;
	s10 =	sld [smem:$0x3FB9]  }
0x3d: {  	_ =	shalt  }
0x3e: {  	_ =	shalt  }
0x3f: {  	_ =	shalt  }
0x40: {  	_ =	shalt  }
0x41: {  	_ =	shalt  }
0x42: {  	_ =	shalt  }
0x43: {  	_ =	shalt  }
0x44: {  	_ =	shalt  }
0x45: {  	_ =	shalt  }
0x46: {  	_ =	shalt  }
0x47: {  	_ =	shalt  }
0x48: {  	_ =	shalt  }
0x49: {  	_ =	shalt  }
0x4a: {  	_ =	shalt  }
0x4b: {  	_ =	shalt  }
0x4c: {  	_ =	shalt  }
0x4d: {  	_ =	shalt  }
0x4e: {  	_ =	shalt  }
0x4f: {  	_ =	shalt  }
0x50: {  	_ =	shalt  }
0x51: {  	_ =	shalt  }
0x52: {  	_ =	shalt  }
0x53: {  	_ =	shalt  }
0x54: {  	_ =	shalt  }
0x55: {  	_ =	shalt  }
0x56: {  	_ =	shalt  }
0x57: {  	_ =	shalt  }
0x58: {  	_ =	shalt  }
0x59: {  	_ =	shalt  }
0x5a: {  	_ =	shalt  }
0x5b: {  	_ =	shalt  }
0x5c: {  	_ =	shalt  }
0x5d: {  	_ =	shalt  }
0x5e: {  	_ =	shalt  }
0x5f: {  	_ =	shalt  }
0x60: {  	_ =	shalt  }
0x61: {  	_ =	shalt  }
0x62: {  	_ =	shalt  }
0x63: {  	_ =	shalt  }
0x64: {  	_ =	shalt  }
0x65: {  	_ =	shalt  }
0x66: {  	_ =	shalt  }
0x67: {  	_ =	shalt  }
0x68: {  	_ =	shalt  }
0x69: {  	_ =	shalt  }
0x6a: {  	_ =	shalt  }
0x6b: {  	_ =	shalt  }
0x6c: {  	_ =	shalt  }
0x6d: {  	_ =	shalt  }
0x6e: {  	_ =	shalt  }
0x6f: {  	_ =	shalt  }
0x70: {  	_ =	shalt  }
0x71: {  	_ =	shalt  }
0x72: {  	_ =	shalt  }
0x73: {  	_ =	shalt  }
0x74: {  	_ =	shalt  }
0x75: {  	_ =	shalt  }
0x76: {  	_ =	shalt  }
0x77: {  	_ =	shalt  }
0x78: {  	_ =	shalt  }
0x79: {  	_ =	shalt  }
0x7a: {  	_ =	shalt  }
0x7b: {  	_ =	shalt  }
0x7c: {  	_ =	shalt  }
0x7d: {  	_ =	shalt  }
0x7e: {  	_ =	shalt  }
0x7f: {  	_ =	shalt  }
0x80: {  	_ =	shalt  }
0x81: {  	_ =	shalt  }
0x82: {  	_ =	shalt  }
0x83: {  	_ =	shalt  }
0x84: {  	_ =	shalt  }
0x85: {  	_ =	shalt  }
0x86: {  	_ =	shalt  }
0x87: {  	_ =	shalt  }
.Lfunc_end0:
.L_simem_size_0:
called_computation_lowered:
.L_overlay_start_0:
0x88: {  	s0 =	sld [smem:$0x3FD9]  }
0x89: {  	s1 =	sld [smem:$0x3FFE];
	_ =	sdelay $0x3  }
0x8a: {  	s0 =	sadd.s32 s1, s0  }
0x8b: {  	[smem:$0x3FC5] =	sst s0  }
0x8c: {  	_ = 	snop  }
0x8d: {  	s0 =	sld [smem:$0x3FC8]  }
0x8e: {  	s16 =	sld [smem:$0x3FD0];
	(tm) =	ssettm $0x1  }
0x8f: {  	s2 =	sld [smem:$0x3FFB];
	_ =	sdelay $0x3  }
0x90: {  	_ =	strace s2  }
0x91: {  	s2 =	sld [smem:$0x3FFC];
	_ =	sdelay $0x3  }
0x92: {  	_ =	strace s2  }
0x93: {  	s2 =	sld [smem:$0x3FFD];
	_ =	sdelay $0x3  }
0x94: {  	_ =	strace s2  }
0x95: {  	_ =	strace $0x8FFFFFFF  }
0x96: {  	s17 =	sld [smem:$0x3FDB];
	_ =	sdelay $0x1  }
0x97: {  	s3 =	simm.s32 $_scs_section_size  }
0x98: {  	s4 =	simm.s32 $_size__tile_overlayer_lowered;
	s5 =	simm.s32 $_tile_overlayer_lowered  }
0x99: {  	s20 =	simm.s32 $0x1BFF;
	s19 =	sshll.u32 s5, $0x1;
	s2 =	sadd.s32 s3, s17  }
0x9a: {  	s6 =	simm.s32 $0x0;
	s18 =	sshll.u32 s4, $0x1;
	s4 =	sadd.s32 s19, s2  }
0x9b: {  	[timem:s6], [sflag:s20] =	dma.local [hbm:s4], s18  }
0x9c: {  	_ =	swait.ge [sflag:s20], s18  }
0x9d: {  	s3 =	ssub.s32 $0x0, s18;
	[sflag:s20] =	ssyncset.done $0x0  }
0x9e: {  	[sflag:s20] =	ssyncadd.s32 s3;
	_ =	sdelay $0x1  }
0x9f: {  	s21 =	simm.s32 $0x1B8B  }
0xa0: {  	_ =	swait.ge [sflag:s21], $0x1  }
0xa1: {  	[sflag:s21] =	ssyncset.done $0x0  }
0xa2: {  	s23 =	simm.s32 $0x1B8E;
	s22 =	sld [smem:$0x3FFE];
	[sflag:s21] =	ssyncadd.s32 $0xFFFFFFFF  }
0xa3: {  	s24 =	simm.s32 $execute0_lowered;
	[smem:$0x3FD2] =	sst s23  }
0xa4: {  	s4 =	sshll.u32 s24, $0x1;
	_ =	strace $0x80000046;
	[dreg:$0x1] =	wrdreg $0xFFFFFFFF  }
0xa5: {  	s25 =	simm.s32 $_size_execute0_lowered;
	s2 =	sadd.s32 s2, s4;
	[dreg:$0x0] =	wrdreg $0x0  }
0xa6: {  	s4 =	sshll.u32 s25, $0x1;
	[dreg:$0x2] =	wrdreg s2  }
0xa7: {  	[dreg:$0x3] =	wrdreg s4  }
0xa8: {  	[dreg:$0x4] =	wrdreg $0xC0  }
0xa9: {  	_ =	task [dreg:s6], $0x5FFFF  }
0xaa: {  	[dreg:$0x1] =	wrdreg $0xFFFFFFFF  }
0xab: {  	[dreg:$0x0] =	wrdreg $0x60  }
0xac: {  	[dreg:$0x2] =	wrdreg s0  }
0xad: {  	[dreg:$0x3] =	wrdreg s22  }
0xae: {  	[dreg:$0x4] =	wrdreg s16  }
0xaf: {  	[dreg:$0x5] =	wrdreg $0x9  }
0xb0: {  	_ =	task.clear_ibuf [dreg:s6], $0x6FFFF;
	_ =	strace $0x90000046  }
0xb1: {  	s26 =	simm.s32 $0x9;
	_ =	strace $0x80000048  }
0xb2: {  	_ =	swait.ge [sflag:s26], $0x1  }
0xb3: {  	[sflag:s26] =	ssyncadd.s32 $0xFFFFFFFF  }
0xb4: {  	_ =	strace $0x90000048  }
0xb5: {  	_ =	sfence  }
0xb6: {  	s28 =	sld [smem:$0x0];
	_ =	sdelay $0x1  }
0xb7: {  	s29 =	srdreg.scid  }
0xb8: {  	s30 =	sshll.u32 s29, $0xD;
	s31 =	sshrl.u32 s29, $0x2  }
0xb9: {  	s1 =	sand.u32 $0x1, s29;
	s2 =	sand.u32 $0x4000, s30;
	s0 =	sadd.s32 s31, s28  }
0xba: {  	s1 =	sor.u32 s2, s1;
	s0 =	sshll.u32 s0, $0x11  }
0xbb: {  	s0 =	sor.u32 s0, s1  }
0xbc: {  	s0 =	sadd.s32 $0x8F2B, s0  }
0xbd: {  	[sflag:s0] =	ssyncadd.remote.s32 $0x1  }
0xbe: {  	_ =	sfence.sel $0xFFFF  }
0xbf: {  	[dreg:$0x0] =	wrdreg $0xFFFFFFFF;
	(pc) =	sbr.abs _section_cstart, $3  }
0xc0: {  	[dreg:$0x1] =	wrdreg $0xFFFFFFFF  }
0xc1: {  	_ =	task.clear_ibuf [dreg:s6], $0x2FFFF;
	_ =	strace $0x9FFFFFFF  }
0xc2: {  	(tm) =	ssettm $0x7FFFFFFF  }
0xc3: {  	_ =	shalt  }
tec
execute0_lowered:
.L_overlay_start_1:
0x0: {  	(tag) =	ssettag $0x1  }
0x1: {  	s5 =	rddreg [dreg:$0x0]  }
0x2: {  	s3 =	rddreg [dreg:$0x1];
	s1 =	stileid.u32  }
0x3: {  	s4 =	rddreg [dreg:$0x2];
	s2 =	simm.s32 $0x0;
	s6 =	sshll.u32 s1, $0x1  }
0x4: {  	[smem:$0x7FF] =	sst s2;
	s3 =	sadd.s32 s6, s3  }
0x5: {  	s0 =	rddreg [dreg:$0x3];
	_ =	strace $0x80000047;
	s6 =	sadd.s32 $0x400, s3  }
0x6: {  	[tilespmem:s2], [sflag:$0x1] =	stream.linear.gather [hbm4b:s6+s2], $0x10, $0x38;
	[tilespmem:$0x400] =	vst v63  }
0x7: {  	s7 =	simm.s32 $0x280;
	s17 =	sadd.s32 $0x800, s3  }
0x8: {  	[tilespmem:s7], [sflag:$0x1] =	stream.linear.gather [hbm4b:s17+s2], $0x10, $0x38;
	[tilespmem:$0x400] =	vst v63  }
0x9: {  	s18 =	simm.s32 $0x300;
	s19 =	simm.s32 $0x1;
	s3 =	sadd.s32 $0x600, s3  }
0xa: {  	[tilespmem:s18], [sflag:$0x1] =	stream.linear.gather [hbm4b:s3+s2], $0x10, $0x38;
	[tilespmem:$0x400] =	vst v63  }
0xb: {  	_ =	swait.ge [sflag:s19], $0x10  }
0xc: {  	[sflag:s19] =	ssyncset.done $0x0  }
0xd: {  	[sflag:s19] =	ssyncadd.s32 $0xFFFFFFF0  }
0xe: {  	_ =	swait.ge [sflag:s19], $0x10  }
0xf: {  	[sflag:s19] =	ssyncset.done $0x0  }
0x10: {  	[sflag:s19] =	ssyncadd.s32 $0xFFFFFFF0  }
0x11: {  	_ =	swait.ge [sflag:s19], $0x10  }
0x12: {  	[sflag:s19] =	ssyncset.done $0x0  }
0x13: {  	[sflag:s19] =	ssyncadd.s32 $0xFFFFFFF0  }
0x14: {  	v0 =	vld [tilespmem:$0x0]  }
0x15: {  	v1 =	vlaneseq.u32;
	s20 =	sshll.u32 s1, $0x4  }
0x16: {  	v1 =	vmul.u32 $0x8000, v1;
	v2 =	vmov s20  }
0x17: {  	v2 =	vshll.u32 v2, $0xF  }
0x18: {  	v1 =	vor.u32 v1, v2  }
0x19: {  	v1 =	vadd.s32 v1, v0  }
0x1a: {  	[tilespmem:$0x80] =	vst v1;
	v1 =	vadd.s32 $0x4000, v1  }
0x1b: {  	s21 =	simm.s32 $0x10;
	s8 =	simm.s32 $0x80;
	s9 =	simm.s32 $0x180;
	[tilespmem:$0x100] =	vst v1  }
0x1c: {  	[tilespmem:s9], [sflag:$0x1] =	stream.indirect.gather [hbm4b:s5+s21], $0x1, s8, s21, $0xb8;
	[tilespmem:$0x400] =	vst v63  }
0x1d: {  	s22 =	simm.s32 $0x100;
	s23 =	simm.s32 $0x200  }
0x1e: {  	[tilespmem:s23], [sflag:$0x1] =	stream.indirect.gather [hbm4b:s5+s21], $0x1, s22, s21, $0xb8;
	[tilespmem:$0x400] =	vst v63  }
0x1f: {  	_ =	swait.ge [sflag:s19], $0x10  }
0x20: {  	[sflag:s19] =	ssyncset.done $0x0  }
0x21: {  	[sflag:s19] =	ssyncadd.s32 $0xFFFFFFF0  }
0x22: {  	_ =	swait.ge [sflag:s19], $0x10  }
0x23: {  	[sflag:s19] =	ssyncset.done $0x0  }
0x24: {  	[sflag:s19] =	ssyncadd.s32 $0xFFFFFFF0  }
0x25: {  	v60 =	vld [tilespmem:$0x180]  }
0x26: {  	v61 =	vld [tilespmem:$0x200]  }
0x27: {  	v3 =	vld [tilespmem:$0x280]  }
0x28: {  	v4 =	vld [tilespmem:$0x300]  }
0x29: {  	v5 =	vand.u32 $0x7F, v0  }
0x2a: {  	v0 =	vshra.s32 v0, $0x7;
	v5 =	vcvt.s32.f32 v5;
	v1 =	vmul.f32 $5.000000000e-01, v60  }
0x2b: {  	v0 =	vcvt.s32.f32 v0;
	v2 =	vmul.f32 $5.000000000e-01, v61  }
0x2c: {  	v3 =	vmul.f32 $7.812500000e-03, v3;
	v6 =	vsub.f32 v5, v1  }
0x2d: {  	v4 =	vmul.f32 $7.812500000e-03, v4;
	v7 =	vsub.f32 v0, v2  }
0x2e: {  	v1 =	vadd.f32 v5, v1;
	v62 =	vmul.f32 v3, v6  }
0x2f: {  	s24 =	sshll.u32 s1, $0x6;
	v0 =	vadd.f32 v0, v2;
	v63 =	vmul.f32 v4, v7  }
0x30: {  	s6 =	sand.u32 $0x70, s20;
	s5 =	sand.u32 $0x200, s24;
	v1 =	vmul.f32 v3, v1;
	[tilespmem:$0x380] =	vst v62  }
0x31: {  	s5 =	sor.u32 s6, s5;
	v0 =	vmul.f32 v4, v0;
	[tilespmem:$0x390] =	vst v63  }
0x32: {  	s5 =	sshrl.u32 s5, $0x3;
	[tilespmem:$0x3A0] =	vst v1  }
0x33: {  	s25 =	simm.s32 $0x380;
	s4 =	sadd.s32 s4, s5;
	[tilespmem:$0x3B0] =	vst v0  }
0x34: {  	[hbm4b:s4+s2] =	stream.linear.scatter [tilespmem:s25], [sflag:$0x1], $0x10, $0x38;
	[tilespmem:$0x400] =	vst v63  }
0x35: {  	s28 =	simm.s32 $0x390;
	s26 =	sadd.s32 $0x10, s4  }
0x36: {  	[hbm4b:s26+s2] =	stream.linear.scatter [tilespmem:s28], [sflag:$0x1], $0x10, $0x38;
	[tilespmem:$0x400] =	vst v63  }
0x37: {  	s30 =	simm.s32 $0x3A0;
	s29 =	sadd.s32 $0x20, s4  }
0x38: {  	[hbm4b:s29+s2] =	stream.linear.scatter [tilespmem:s30], [sflag:$0x1], $0x10, $0x38;
	[tilespmem:$0x400] =	vst v63  }
0x39: {  	s31 =	simm.s32 $0x3B0;
	s4 =	sadd.s32 $0x30, s4  }
0x3a: {  	[hbm4b:s4+s2] =	stream.linear.scatter [tilespmem:s31], [sflag:$0x1], $0x10, $0x38;
	[tilespmem:$0x400] =	vst v63  }
0x3b: {  	_ =	swait.ge [sflag:s19], $0x10  }
0x3c: {  	[sflag:s19] =	ssyncset.done $0x0  }
0x3d: {  	[sflag:s19] =	ssyncadd.s32 $0xFFFFFFF0  }
0x3e: {  	_ =	swait.ge [sflag:s19], $0x10  }
0x3f: {  	[sflag:s19] =	ssyncset.done $0x0  }
0x40: {  	[sflag:s19] =	ssyncadd.s32 $0xFFFFFFF0  }
0x41: {  	_ =	swait.ge [sflag:s19], $0x10  }
0x42: {  	[sflag:s19] =	ssyncset.done $0x0  }
0x43: {  	[sflag:s19] =	ssyncadd.s32 $0xFFFFFFF0  }
0x44: {  	_ =	swait.ge [sflag:s19], $0x10  }
0x45: {  	[sflag:s19] =	ssyncset.done $0x0  }
0x46: {  	[sflag:s19] =	ssyncadd.s32 $0xFFFFFFF0  }
0x47: {  	_ =	sfence.sel $0x180000  }
0x48: {  	[bflag:$0x0] =	sbarrier.arrive $0xFFFF  }
0x49: {  	p0 =	sne.s32 s1, $0x0;
	_ =	strace $0x90000047  }
0x4a: {  	s0 =	sadd.s32 @!p0 $0x100000, s0;
	[bflag:$0x2] =	sbarrier.arrive $0xFFFF  }
0x4b: {  	[sflag:s0] =	ssyncadd.tile.s32 @!p0 $0x1;
	_ =	shalt  }
.Lfunc_end2:
_tile_overlayer_lowered:
.L_overlay_start_2:
0x4c: {  	(tag) =	ssettag $0x2  }
0x4d: {  	s0 =	rddreg [dreg:$0x0];
	s2 =	stileid.u32  }
0x4e: {  	s1 =	rddreg [dreg:$0x1];
	p0 =	sne.s32 s2, $0x0  }
0x4f: {  	s3 =	rddreg [dreg:$0x2];
	[bflag:$0x3] =	sbarrier.arrive $0xFFFF;
	s2 =	simm.s32 @!p0 $0x1C02  }
0x50: {  	[timem:s3], [sflag:s2] =	dma.local @!p0 [hbm:s0], s1  }
0x51: {  	s0 =	simm.s32 @!p0 $0x2  }
0x52: {  	_ =	swait.ge @!p0 [sflag:s0], s1  }
0x53: {  	s1 =	ssub.s32 @!p0 $0x0, s1;
	[sflag:s0] =	ssyncset.done @!p0 $0x0  }
0x54: {  	[sflag:s0] =	ssyncadd.s32 @!p0 s1  }
0x55: {  	[bflag:$0x3] =	sbarrier.arrive $0xFFFF  }
0x56: {  	_ =	shalt  }

</sc_bundles>
